<compile_context>
chip_gen: v7x
topology: tpu7x:2x2x1
jax: 0.10.2.dev20260603
libtpu: 0.0.44.dev20260713+nightly
codegen_flags: <defaults>
</compile_context>

<pallas_src>
import functools

import jax
import jax.numpy as jnp
from jax.experimental import pallas as pl
from jax.experimental.pallas import tpu as pltpu

N = 300
HW = 128 * 224
CB = 3584
NCB = HW // CB
SELECT_THR = 0.1
NMS_THR = 0.6


def _binarize_gram_kernel(x_ref, sig_ref, inter_ref):
    g = pl.program_id(0)
    x = x_ref[...]
    sig_ref[...] = jax.nn.sigmoid(x).astype(jnp.bfloat16)
    b = (x > 0.0).astype(jnp.bfloat16)
    part = jax.lax.dot_general(
        b, b, (((1,), (1,)), ((), ())), preferred_element_type=jnp.float32)

    @pl.when(g == 0)
    def _():
        inter_ref[...] = part

    @pl.when(g > 0)
    def _():
        inter_ref[...] += part


def _sort_nms_kernel(ms_ref, inter_ref, p_ref, w_ref, iou_scr):
    ms = ms_ref[...]
    inter = inter_ref[...]
    f32 = jnp.float32
    row_i = jax.lax.broadcasted_iota(jnp.int32, (N, N), 0)
    col_i = jax.lax.broadcasted_iota(jnp.int32, (N, N), 1)
    eye = (row_i == col_i).astype(f32)

    def to_col(r):
        return jax.lax.dot_general(
            eye, r, (((1,), (1,)), ((), ())), preferred_element_type=f32,
            precision=jax.lax.Precision.HIGHEST)

    ms_col = to_col(ms)
    areas_col = jnp.sum(inter * eye, axis=1, keepdims=True)
    areas_row = jnp.sum(inter * eye, axis=0, keepdims=True)
    union = jnp.maximum(areas_col + areas_row - inter, 1.0)
    iou = inter / union

    gt = (ms_col > ms).astype(f32)
    tie = ((ms_col == ms) & (row_i < col_i)).astype(f32)
    rank_row = jnp.sum(gt + tie, axis=0, keepdims=True)
    p = (row_i.astype(f32) == rank_row).astype(f32)

    hi = jax.lax.Precision.HIGHEST
    tmp = jax.lax.dot_general(
        p, iou, (((1,), (0,)), ((), ())), preferred_element_type=f32,
        precision=hi)
    iou_s = jax.lax.dot_general(
        tmp, p, (((1,), (1,)), ((), ())), preferred_element_type=f32,
        precision=hi)
    iou_scr[...] = iou_s

    s_col = jnp.sum(p * ms, axis=1, keepdims=True)
    valid_col = s_col > SELECT_THR
    total = jnp.sum(valid_col.astype(f32))
    first = jax.lax.broadcasted_iota(jnp.int32, (N, 1), 0) == 0
    valid_col = valid_col | (first & (total == 0.0))

    lane = jax.lax.broadcasted_iota(jnp.int32, (1, N), 1)

    def body(i, keep):
        row = iou_scr[pl.ds(i, 1), :]
        ki = jnp.sum(keep * (lane == i).astype(f32))
        sup = (row > NMS_THR) & (lane > i)
        return keep * (1.0 - sup.astype(f32) * (ki > 0.0).astype(f32))

    keep = jax.lax.fori_loop(0, N, body, jnp.ones((1, N), f32))
    p_ref[...] = p
    w_ref[...] = to_col(keep) * valid_col.astype(f32) * s_col


def _gather_scale_kernel(sig_ref, p_ref, w_ref, out_ref):
    pb = p_ref[...].astype(jnp.bfloat16)
    acc = jax.lax.dot_general(
        pb, sig_ref[...], (((1,), (0,)), ((), ())),
        preferred_element_type=jnp.float32)
    out_ref[...] = acc * w_ref[...]


@functools.partial(jax.jit, static_argnums=())
def kernel(pred_logits, pred_masks):
    scores = jax.nn.softmax(pred_logits, axis=-1)[:, :-1]
    ms_row = jnp.max(scores, axis=1).reshape(1, N)
    flat = pred_masks.reshape(N, HW)

    sig, inter = pl.pallas_call(
        _binarize_gram_kernel,
        grid=(NCB,),
        in_specs=[pl.BlockSpec((N, CB), lambda g: (0, g))],
        out_specs=[
            pl.BlockSpec((N, CB), lambda g: (0, g)),
            pl.BlockSpec((N, N), lambda g: (0, 0)),
        ],
        out_shape=[
            jax.ShapeDtypeStruct((N, HW), jnp.bfloat16),
            jax.ShapeDtypeStruct((N, N), jnp.float32),
        ],
    )(flat)

    p, w = pl.pallas_call(
        _sort_nms_kernel,
        out_shape=[
            jax.ShapeDtypeStruct((N, N), jnp.float32),
            jax.ShapeDtypeStruct((N, 1), jnp.float32),
        ],
        scratch_shapes=[pltpu.VMEM((N, N), jnp.float32)],
    )(ms_row, inter)

    out = pl.pallas_call(
        _gather_scale_kernel,
        grid=(NCB,),
        in_specs=[
            pl.BlockSpec((N, CB), lambda g: (0, g)),
            pl.BlockSpec((N, N), lambda g: (0, 0)),
            pl.BlockSpec((N, 1), lambda g: (0, 0)),
        ],
        out_specs=pl.BlockSpec((N, CB), lambda g: (0, g)),
        out_shape=jax.ShapeDtypeStruct((N, HW), jnp.float32),
    )(sig, p, w)

    return out.reshape(N, 128, 224)

# --- scband reference (transcript-rebuilt; emitter-appended) ---
"""Pipeline reference for scband-simple-tracker-15453292331614 (READ-ONLY COPY).

The authoritative reference and input builder live on the scoring server;
editing this copy changes nothing except your own understanding.
"""

import jax, jax.numpy as jnp
import numpy as np

NUM_CLASSES = 40
INFERENCE_SELECT_THR = 0.1
MASK_NMS_THR = 0.6


def setup_inputs(seed: int = 0) -> dict:
    key = jax.random.key(seed)
    k1, k2 = jax.random.split(key)
    pred_logits = jax.random.normal(k1, (300, NUM_CLASSES + 1), dtype=jnp.float32)
    pred_masks = jax.random.normal(k2, (300, 128, 224), dtype=jnp.float32)
    return {"pred_logits": pred_logits, "pred_masks": pred_masks}


def reference(pred_logits, pred_masks):
    # Per-frame inference step of SimpleTracker: softmax scoring, descending sort,
    # confidence thresholding, and greedy mask NMS (IoU on binarized sigmoid masks).
    N = pred_logits.shape[0]
    scores = jax.nn.softmax(pred_logits, axis=-1)[:, :-1]
    max_scores = jnp.max(scores, axis=1)
    order = jnp.argsort(-max_scores)
    s = max_scores[order]
    masks = pred_masks[order]
    valid = s > INFERENCE_SELECT_THR
    valid = jnp.where(valid.sum() == 0, valid.at[0].set(True), valid)
    sig = jax.nn.sigmoid(masks)
    binary = (sig > 0.5).astype(jnp.float32)
    flat = binary.reshape(N, -1)
    inter = flat @ flat.T
    areas = flat.sum(axis=1)
    union = areas[:, None] + areas[None, :] - inter
    iou = inter / jnp.clip(union, 1.0)
    iou = jax.lax.stop_gradient(iou)

    def body(i, keep):
        row = iou[i]
        suppress = (row > MASK_NMS_THR) & (jnp.arange(N) > i) & (keep[i] > 0)
        return keep * (1.0 - suppress.astype(jnp.float32))

    keep = jax.lax.fori_loop(0, N, body, jnp.ones((N,), jnp.float32))
    keep_final = keep * valid.astype(jnp.float32)
    out = sig * (keep_final * s)[:, None, None]
    return out

if __name__ == "__main__":
    import jax
    _d = setup_inputs()
    print(jax.jit(kernel)(*tuple(_d.values())))

</pallas_src>

<mosaic_0001>
module attributes {stable_mosaic.version = 14 : i64} {
  func.func @_binarize_gram_kernel(%arg0: i32, %arg1: memref<300x3584xf32, #tpu.memory_space<vmem>>, %arg2: memref<300x3584xbf16, #tpu.memory_space<vmem>>, %arg3: memref<300x300xf32, #tpu.memory_space<vmem>>) attributes {dimension_semantics = [#tpu.dimension_semantics<arbitrary>], iteration_bounds = array<i64: 8>, scalar_prefetch = 0 : i64, scratch_operands = 0 : i64, tpu.core_type = #tpu.core_type<tc>, window_params = [{transform_indices = @transform_0, window_bounds = array<i64: 300, 3584>}, {transform_indices = @transform_1, window_bounds = array<i64: 300, 3584>}, {pipeline_mode = #tpu.pipeline_mode<synchronous>, transform_indices = @transform_2, window_bounds = array<i64: 300, 300>}]} {
    %get3A = arith.constant 0 : index
    %get3A_0 = arith.constant 0 : index
    %get3A_1 = vector.load %arg1[%get3A, %get3A_0] : memref<300x3584xf32, #tpu.memory_space<vmem>>, vector<300x3584xf32>
    %logistic3A = arith.negf %get3A_1 : vector<300x3584xf32>
    %logistic3A_2 = math.exp %logistic3A : vector<300x3584xf32>
    %logistic3A_3 = arith.constant 1.000000e+00 : f32
    %logistic3A_4 = vector.broadcast %logistic3A_3 : f32 to vector<300x3584xf32>
    %logistic3A_5 = arith.addf %logistic3A_4, %logistic3A_2 : vector<300x3584xf32>
    %logistic3A_6 = arith.divf %logistic3A_4, %logistic3A_5 : vector<300x3584xf32>
    %convert_element_type3A = arith.truncf %logistic3A_6 : vector<300x3584xf32> to vector<300x3584xbf16>
    %swap3A = arith.constant 0 : index
    %swap3A_7 = arith.constant 0 : index
    %swap3A_8 = vector.load %arg2[%swap3A, %swap3A_7] : memref<300x3584xbf16, #tpu.memory_space<vmem>>, vector<300x3584xbf16>
    tpu.vector_store %arg2[%swap3A, %swap3A_7], %convert_element_type3A {strides = array<i32>} : memref<300x3584xbf16, #tpu.memory_space<vmem>>, vector<300x3584xbf16>,
    %gt3A = arith.constant 0.000000e+00 : f32
    %gt3A_9 = vector.broadcast %gt3A : f32 to vector<300x3584xf32>
    %gt3A_10 = arith.cmpf ogt, %get3A_1, %gt3A_9 : vector<300x3584xf32>
    %convert_element_type3A_11 = arith.extui %gt3A_10 : vector<300x3584xi1> to vector<300x3584xi32>
    %convert_element_type3A_12 = arith.sitofp %convert_element_type3A_11 : vector<300x3584xi32> to vector<300x3584xf32>
    %convert_element_type3A_13 = arith.truncf %convert_element_type3A_12 : vector<300x3584xf32> to vector<300x3584xbf16>
    %dot_general3A = arith.constant dense<0.000000e+00> : vector<300x300xf32>
    %dot_general3A_14 = tpu.matmul %convert_element_type3A_13, %convert_element_type3A_13, %dot_general3A {dimension_numbers = #tpu.dot_dimension_numbers<[1], [1], [0], [0], [0, 0, 1, 0], [], []>, transpose_lhs_hint = false} : vector<300x3584xbf16>, vector<300x3584xbf16>, vector<300x300xf32> -> vector<300x300xf32>
    %eq3A = arith.constant 0 : i32
    %eq3A_15 = arith.cmpi eq, %arg0, %eq3A : i32
    %convert_element_type3A_16 = arith.extui %eq3A_15 : i1 to i32
    %cond3A = arith.constant 0 : i32
    %cond3A_17 = arith.cmpi ne, %convert_element_type3A_16, %cond3A : i32
    scf.if %cond3A_17 {
      %swap3A_23 = arith.constant 0 : index
      %swap3A_24 = arith.constant 0 : index
      %swap3A_25 = vector.load %arg3[%swap3A_23, %swap3A_24] : memref<300x300xf32, #tpu.memory_space<vmem>>, vector<300x300xf32>
      tpu.vector_store %arg3[%swap3A_23, %swap3A_24], %dot_general3A_14 {strides = array<i32>} : memref<300x300xf32, #tpu.memory_space<vmem>>, vector<300x300xf32>,
    } else {
    }
    %gt3A_18 = arith.constant 0 : i32
    %gt3A_19 = arith.cmpi sgt, %arg0, %gt3A_18 : i32
    %convert_element_type3A_20 = arith.extui %gt3A_19 : i1 to i32
    %cond3A_21 = arith.constant 0 : i32
    %cond3A_22 = arith.cmpi ne, %convert_element_type3A_20, %cond3A_21 : i32
    scf.if %cond3A_22 {
      %get3A_23 = arith.constant 0 : index
      %get3A_24 = arith.constant 0 : index
      %get3A_25 = vector.load %arg3[%get3A_23, %get3A_24] : memref<300x300xf32, #tpu.memory_space<vmem>>, vector<300x300xf32>
      %add3A = arith.addf %get3A_25, %dot_general3A_14 : vector<300x300xf32>
      %swap3A_26 = arith.constant 0 : index
      %swap3A_27 = arith.constant 0 : index
      %swap3A_28 = vector.load %arg3[%swap3A_26, %swap3A_27] : memref<300x300xf32, #tpu.memory_space<vmem>>, vector<300x300xf32>
      tpu.vector_store %arg3[%swap3A_26, %swap3A_27], %add3A {strides = array<i32>} : memref<300x300xf32, #tpu.memory_space<vmem>>, vector<300x300xf32>,
    } else {
    }
    return
  }
  func.func @transform_0(%arg0: i32) -> (i32, i32) {
    %c0_i32 = arith.constant 0 : i32
    %c0_i32_0 = arith.constant 0 : i32
    return %c0_i32, %arg0 : i32, i32
  }
  func.func @transform_1(%arg0: i32) -> (i32, i32) {
    %c0_i32 = arith.constant 0 : i32
    %c0_i32_0 = arith.constant 0 : i32
    return %c0_i32, %arg0 : i32, i32
  }
  func.func @transform_2(%arg0: i32) -> (i32, i32) {
    %c0_i32 = arith.constant 0 : i32
    %c0_i32_0 = arith.constant 0 : i32
    %c0_i32_1 = arith.constant 0 : i32
    return %c0_i32, %c0_i32_0 : i32, i32
  }
}

module attributes {stable_mosaic.version = 14 : i64} {
  func.func @_sort_nms_kernel(%arg0: memref<1x300xf32, #tpu.memory_space<vmem>>, %arg1: memref<300x300xf32, #tpu.memory_space<vmem>>, %arg2: memref<300x300xf32, #tpu.memory_space<vmem>>, %arg3: memref<300x1xf32, #tpu.memory_space<vmem>>, %arg4: memref<300x300xf32, #tpu.memory_space<vmem>>) attributes {dimension_semantics = [], scalar_prefetch = 0 : i64, scratch_operands = 1 : i64, tpu.core_type = #tpu.core_type<tc>} {
    %get3A = arith.constant 0 : index
    %get3A_0 = arith.constant 0 : index
    %get3A_1 = vector.load %arg0[%get3A, %get3A_0] : memref<1x300xf32, #tpu.memory_space<vmem>>, vector<1x300xf32>
    %get3A_2 = arith.constant 0 : index
    %get3A_3 = arith.constant 0 : index
    %get3A_4 = vector.load %arg1[%get3A_2, %get3A_3] : memref<300x300xf32, #tpu.memory_space<vmem>>, vector<300x300xf32>
    %iota3A = tpu.iota {dimensions = array<i32: 0>} : vector<300x300xi32>
    %iota3A_5 = tpu.iota {dimensions = array<i32: 1>} : vector<300x300xi32>
    %eq3A = arith.cmpi eq, %iota3A, %iota3A_5 : vector<300x300xi32>
    %convert_element_type3A = arith.extui %eq3A : vector<300x300xi1> to vector<300x300xi32>
    %convert_element_type3A_6 = arith.sitofp %convert_element_type3A : vector<300x300xi32> to vector<300x300xf32>
    %dot_general3A = arith.constant dense<0.000000e+00> : vector<300x1xf32>
    %dot_general3A_7 = tpu.matmul %convert_element_type3A_6, %get3A_1, %dot_general3A {dimension_numbers = #tpu.dot_dimension_numbers<[1], [1], [0], [0], [0, 0, 1, 0], [], []>, precision = #tpu.contract_precision<fp32>, transpose_lhs_hint = false} : vector<300x300xf32>, vector<1x300xf32>, vector<300x1xf32> -> vector<300x1xf32>
    %mul3A = arith.mulf %get3A_4, %convert_element_type3A_6 : vector<300x300xf32>
    %reduce_sum3A = arith.constant dense<0.000000e+00> : vector<300xf32>
    %reduce_sum3A_8 = vector.multi_reduction <add>, %mul3A, %reduce_sum3A [1] : vector<300x300xf32> to vector<300xf32>
    %broadcast_in_dim3A = vector.shape_cast %reduce_sum3A_8 : vector<300xf32> to vector<300x1xf32>
    %mul3A_9 = arith.mulf %get3A_4, %convert_element_type3A_6 : vector<300x300xf32>
    %reduce_sum3A_10 = arith.constant dense<0.000000e+00> : vector<300xf32>
    %reduce_sum3A_11 = vector.multi_reduction <add>, %mul3A_9, %reduce_sum3A_10 [0] : vector<300x300xf32> to vector<300xf32>
    %broadcast_in_dim3A_12 = vector.shape_cast %reduce_sum3A_11 : vector<300xf32> to vector<1x300xf32>
    %add3A = vector.broadcast %broadcast_in_dim3A : vector<300x1xf32> to vector<300x300xf32>
    %add3A_13 = vector.broadcast %broadcast_in_dim3A_12 : vector<1x300xf32> to vector<300x300xf32>
    %add3A_14 = arith.addf %add3A, %add3A_13 : vector<300x300xf32>
    %sub3A = arith.subf %add3A_14, %get3A_4 : vector<300x300xf32>
    %max3A = arith.constant 1.000000e+00 : f32
    %max3A_15 = vector.broadcast %max3A : f32 to vector<300x300xf32>
    %max3A_16 = arith.maximumf %sub3A, %max3A_15 : vector<300x300xf32>
    %div3A = arith.divf %get3A_4, %max3A_16 : vector<300x300xf32>
    %gt3A = vector.broadcast %dot_general3A_7 : vector<300x1xf32> to vector<300x300xf32>
    %gt3A_17 = vector.broadcast %get3A_1 : vector<1x300xf32> to vector<300x300xf32>
    %gt3A_18 = arith.cmpf ogt, %gt3A, %gt3A_17 : vector<300x300xf32>
    %convert_element_type3A_19 = arith.extui %gt3A_18 : vector<300x300xi1> to vector<300x300xi32>
    %convert_element_type3A_20 = arith.sitofp %convert_element_type3A_19 : vector<300x300xi32> to vector<300x300xf32>
    %eq3A_21 = vector.broadcast %dot_general3A_7 : vector<300x1xf32> to vector<300x300xf32>
    %eq3A_22 = vector.broadcast %get3A_1 : vector<1x300xf32> to vector<300x300xf32>
    %eq3A_23 = arith.cmpf oeq, %eq3A_21, %eq3A_22 : vector<300x300xf32>
    %lt3A = arith.cmpi slt, %iota3A, %iota3A_5 : vector<300x300xi32>
    %and3A = arith.andi %eq3A_23, %lt3A : vector<300x300xi1>
    %convert_element_type3A_24 = arith.extui %and3A : vector<300x300xi1> to vector<300x300xi32>
    %convert_element_type3A_25 = arith.sitofp %convert_element_type3A_24 : vector<300x300xi32> to vector<300x300xf32>
    %add3A_26 = arith.addf %convert_element_type3A_20, %convert_element_type3A_25 : vector<300x300xf32>
    %reduce_sum3A_27 = arith.constant dense<0.000000e+00> : vector<300xf32>
    %reduce_sum3A_28 = vector.multi_reduction <add>, %add3A_26, %reduce_sum3A_27 [0] : vector<300x300xf32> to vector<300xf32>
    %broadcast_in_dim3A_29 = vector.shape_cast %reduce_sum3A_28 : vector<300xf32> to vector<1x300xf32>
    %convert_element_type3A_30 = arith.sitofp %iota3A : vector<300x300xi32> to vector<300x300xf32>
    %eq3A_31 = vector.broadcast %broadcast_in_dim3A_29 : vector<1x300xf32> to vector<300x300xf32>
    %eq3A_32 = arith.cmpf oeq, %convert_element_type3A_30, %eq3A_31 : vector<300x300xf32>
    %convert_element_type3A_33 = arith.extui %eq3A_32 : vector<300x300xi1> to vector<300x300xi32>
    %convert_element_type3A_34 = arith.sitofp %convert_element_type3A_33 : vector<300x300xi32> to vector<300x300xf32>
    %dot_general3A_35 = arith.constant dense<0.000000e+00> : vector<300x300xf32>
    %dot_general3A_36 = tpu.matmul %convert_element_type3A_34, %div3A, %dot_general3A_35 {dimension_numbers = #tpu.dot_dimension_numbers<[1], [0], [0], [1], [0, 0, 1, 1], [], []>, precision = #tpu.contract_precision<fp32>, transpose_lhs_hint = false} : vector<300x300xf32>, vector<300x300xf32>, vector<300x300xf32> -> vector<300x300xf32>
    %dot_general3A_37 = arith.constant dense<0.000000e+00> : vector<300x300xf32>
    %dot_general3A_38 = tpu.matmul %dot_general3A_36, %convert_element_type3A_34, %dot_general3A_37 {dimension_numbers = #tpu.dot_dimension_numbers<[1], [1], [0], [0], [0, 0, 1, 0], [], []>, precision = #tpu.contract_precision<fp32>, transpose_lhs_hint = false} : vector<300x300xf32>, vector<300x300xf32>, vector<300x300xf32> -> vector<300x300xf32>
    %swap3A = arith.constant 0 : index
    %swap3A_39 = arith.constant 0 : index
    %swap3A_40 = vector.load %arg4[%swap3A, %swap3A_39] : memref<300x300xf32, #tpu.memory_space<vmem>>, vector<300x300xf32>
    tpu.vector_store %arg4[%swap3A, %swap3A_39], %dot_general3A_38 {strides = array<i32>} : memref<300x300xf32, #tpu.memory_space<vmem>>, vector<300x300xf32>,
    %mul3A_41 = vector.broadcast %get3A_1 : vector<1x300xf32> to vector<300x300xf32>
    %mul3A_42 = arith.mulf %convert_element_type3A_34, %mul3A_41 : vector<300x300xf32>
    %reduce_sum3A_43 = arith.constant dense<0.000000e+00> : vector<300xf32>
    %reduce_sum3A_44 = vector.multi_reduction <add>, %mul3A_42, %reduce_sum3A_43 [1] : vector<300x300xf32> to vector<300xf32>
    %broadcast_in_dim3A_45 = vector.shape_cast %reduce_sum3A_44 : vector<300xf32> to vector<300x1xf32>
    %gt3A_46 = arith.constant 1.000000e-01 : f32
    %gt3A_47 = vector.broadcast %gt3A_46 : f32 to vector<300x1xf32>
    %gt3A_48 = arith.cmpf ogt, %broadcast_in_dim3A_45, %gt3A_47 : vector<300x1xf32>
    %convert_element_type3A_49 = arith.extui %gt3A_48 : vector<300x1xi1> to vector<300x1xi32>
    %convert_element_type3A_50 = arith.sitofp %convert_element_type3A_49 : vector<300x1xi32> to vector<300x1xf32>
    %reduce_sum3A_51 = vector.shape_cast %convert_element_type3A_50 : vector<300x1xf32> to vector<1x300x1xf32>
    %reduce_sum3A_52 = arith.constant dense<0.000000e+00> : vector<1xf32>
    %reduce_sum3A_53 = vector.multi_reduction <add>, %reduce_sum3A_51, %reduce_sum3A_52 [1, 2] : vector<1x300x1xf32> to vector<1xf32>
    %reduce_sum3A_54 = vector.shape_cast %reduce_sum3A_53 : vector<1xf32> to vector<1x1x1xf32>
    %reduce_sum3A_55 = vector.extract %reduce_sum3A_54[0, 0, 0] : f32 from vector<1x1x1xf32>
    %iota3A_56 = tpu.iota {dimensions = array<i32: 0>} : vector<300x1xi32>
    %eq3A_57 = arith.constant 0 : i32
    %eq3A_58 = vector.broadcast %eq3A_57 : i32 to vector<300x1xi32>
    %eq3A_59 = arith.cmpi eq, %iota3A_56, %eq3A_58 : vector<300x1xi32>
    %eq3A_60 = arith.constant 0.000000e+00 : f32
    %eq3A_61 = arith.cmpf oeq, %reduce_sum3A_55, %eq3A_60 : f32
    %and3A_62 = vector.broadcast %eq3A_61 : i1 to vector<300x1xi1>
    %and3A_63 = arith.andi %eq3A_59, %and3A_62 : vector<300x1xi1>
    %or3A = arith.ori %gt3A_48, %and3A_63 : vector<300x1xi1>
    %iota3A_64 = tpu.iota {dimensions = array<i32: 1>} : vector<1x300xi32>
    %broadcast_in_dim3A_65 = arith.constant 1.000000e+00 : f32
    %broadcast_in_dim3A_66 = vector.broadcast %broadcast_in_dim3A_65 : f32 to vector<1x300xf32>
    %scan3A = arith.constant 0 : i32
    %scan3A_67 = arith.constant 300 : i32
    %scan3A_68 = arith.addi %scan3A, %scan3A_67 : i32
    %scan3A_69 = arith.constant 1 : i32
    %scan3A_70 = scf.for %scan3A_84 = %scan3A to %scan3A_68 step %scan3A_69 iter_args(%scan3A_85 = %broadcast_in_dim3A_66) -> (vector<1x300xf32>)  : i32 {
      %get3A_86 = arith.index_cast %scan3A_84 : i32 to index
      %get3A_87 = arith.constant 0 : index
      %get3A_88 = vector.load %arg4[%get3A_86, %get3A_87] : memref<300x300xf32, #tpu.memory_space<vmem>>, vector<1x300xf32>
      %eq3A_89 = vector.broadcast %scan3A_84 : i32 to vector<1x300xi32>
      %eq3A_90 = arith.cmpi eq, %iota3A_64, %eq3A_89 : vector<1x300xi32>
      %convert_element_type3A_91 = arith.extui %eq3A_90 : vector<1x300xi1> to vector<1x300xi32>
      %convert_element_type3A_92 = arith.sitofp %convert_element_type3A_91 : vector<1x300xi32> to vector<1x300xf32>
      %mul3A_93 = arith.mulf %scan3A_85, %convert_element_type3A_92 : vector<1x300xf32>
      %reduce_sum3A_94 = vector.shape_cast %mul3A_93 : vector<1x300xf32> to vector<1x1x300xf32>
      %reduce_sum3A_95 = arith.constant dense<0.000000e+00> : vector<1xf32>
      %reduce_sum3A_96 = vector.multi_reduction <add>, %reduce_sum3A_94, %reduce_sum3A_95 [1, 2] : vector<1x1x300xf32> to vector<1xf32>
      %reduce_sum3A_97 = vector.shape_cast %reduce_sum3A_96 : vector<1xf32> to vector<1x1x1xf32>
      %reduce_sum3A_98 = vector.extract %reduce_sum3A_97[0, 0, 0] : f32 from vector<1x1x1xf32>
      %gt3A_99 = arith.constant 6.000000e-01 : f32
      %gt3A_100 = vector.broadcast %gt3A_99 : f32 to vector<1x300xf32>
      %gt3A_101 = arith.cmpf ogt, %get3A_88, %gt3A_100 : vector<1x300xf32>
      %gt3A_102 = vector.broadcast %scan3A_84 : i32 to vector<1x300xi32>
      %gt3A_103 = arith.cmpi sgt, %iota3A_64, %gt3A_102 : vector<1x300xi32>
      %and3A_104 = arith.andi %gt3A_101, %gt3A_103 : vector<1x300xi1>
      %convert_element_type3A_105 = arith.extui %and3A_104 : vector<1x300xi1> to vector<1x300xi32>
      %convert_element_type3A_106 = arith.sitofp %convert_element_type3A_105 : vector<1x300xi32> to vector<1x300xf32>
      %gt3A_107 = arith.constant 0.000000e+00 : f32
      %gt3A_108 = arith.cmpf ogt, %reduce_sum3A_98, %gt3A_107 : f32
      %convert_element_type3A_109 = arith.extui %gt3A_108 : i1 to i32
      %convert_element_type3A_110 = arith.sitofp %convert_element_type3A_109 : i32 to f32
      %mul3A_111 = vector.broadcast %convert_element_type3A_110 : f32 to vector<1x300xf32>
      %mul3A_112 = arith.mulf %convert_element_type3A_106, %mul3A_111 : vector<1x300xf32>
      %sub3A_113 = arith.constant 1.000000e+00 : f32
      %sub3A_114 = vector.broadcast %sub3A_113 : f32 to vector<1x300xf32>
      %sub3A_115 = arith.subf %sub3A_114, %mul3A_112 : vector<1x300xf32>
      %mul3A_116 = arith.mulf %scan3A_85, %sub3A_115 : vector<1x300xf32>
      scf.yield %mul3A_116 : vector<1x300xf32>
    }
    %scan3A_71 = arith.constant 300 : i32
    %swap3A_72 = arith.constant 0 : index
    %swap3A_73 = arith.constant 0 : index
    %swap3A_74 = vector.load %arg2[%swap3A_72, %swap3A_73] : memref<300x300xf32, #tpu.memory_space<vmem>>, vector<300x300xf32>
    tpu.vector_store %arg2[%swap3A_72, %swap3A_73], %convert_element_type3A_34 {strides = array<i32>} : memref<300x300xf32, #tpu.memory_space<vmem>>, vector<300x300xf32>,
    %dot_general3A_75 = arith.constant dense<0.000000e+00> : vector<300x1xf32>
    %dot_general3A_76 = tpu.matmul %convert_element_type3A_6, %scan3A_70, %dot_general3A_75 {dimension_numbers = #tpu.dot_dimension_numbers<[1], [1], [0], [0], [0, 0, 1, 0], [], []>, precision = #tpu.contract_precision<fp32>, transpose_lhs_hint = false} : vector<300x300xf32>, vector<1x300xf32>, vector<300x1xf32> -> vector<300x1xf32>
    %convert_element_type3A_77 = arith.extui %or3A : vector<300x1xi1> to vector<300x1xi32>
    %convert_element_type3A_78 = arith.sitofp %convert_element_type3A_77 : vector<300x1xi32> to vector<300x1xf32>
    %mul3A_79 = arith.mulf %dot_general3A_76, %convert_element_type3A_78 : vector<300x1xf32>
    %mul3A_80 = arith.mulf %mul3A_79, %broadcast_in_dim3A_45 : vector<300x1xf32>
    %swap3A_81 = arith.constant 0 : index
    %swap3A_82 = arith.constant 0 : index
    %swap3A_83 = vector.load %arg3[%swap3A_81, %swap3A_82] : memref<300x1xf32, #tpu.memory_space<vmem>>, vector<300x1xf32>
    tpu.vector_store %arg3[%swap3A_81, %swap3A_82], %mul3A_80 {strides = array<i32>} : memref<300x1xf32, #tpu.memory_space<vmem>>, vector<300x1xf32>,
    return
  }
}

module attributes {stable_mosaic.version = 14 : i64} {
  func.func @_gather_scale_kernel(%arg0: i32, %arg1: memref<300x3584xbf16, #tpu.memory_space<vmem>>, %arg2: memref<300x300xf32, #tpu.memory_space<vmem>>, %arg3: memref<300x1xf32, #tpu.memory_space<vmem>>, %arg4: memref<300x3584xf32, #tpu.memory_space<vmem>>) attributes {dimension_semantics = [#tpu.dimension_semantics<arbitrary>], iteration_bounds = array<i64: 8>, scalar_prefetch = 0 : i64, scratch_operands = 0 : i64, tpu.core_type = #tpu.core_type<tc>, window_params = [{transform_indices = @transform_0, window_bounds = array<i64: 300, 3584>}, {pipeline_mode = #tpu.pipeline_mode<synchronous>, transform_indices = @transform_1, window_bounds = array<i64: 300, 300>}, {pipeline_mode = #tpu.pipeline_mode<synchronous>, transform_indices = @transform_2, window_bounds = array<i64: 300, 1>}, {transform_indices = @transform_3, window_bounds = array<i64: 300, 3584>}]} {
    %get3A = arith.constant 0 : index
    %get3A_0 = arith.constant 0 : index
    %get3A_1 = vector.load %arg2[%get3A, %get3A_0] : memref<300x300xf32, #tpu.memory_space<vmem>>, vector<300x300xf32>
    %convert_element_type3A = arith.truncf %get3A_1 : vector<300x300xf32> to vector<300x300xbf16>
    %get3A_2 = arith.constant 0 : index
    %get3A_3 = arith.constant 0 : index
    %get3A_4 = vector.load %arg1[%get3A_2, %get3A_3] : memref<300x3584xbf16, #tpu.memory_space<vmem>>, vector<300x3584xbf16>
    %dot_general3A = arith.constant dense<0.000000e+00> : vector<300x3584xf32>
    %dot_general3A_5 = tpu.matmul %convert_element_type3A, %get3A_4, %dot_general3A {dimension_numbers = #tpu.dot_dimension_numbers<[1], [0], [0], [1], [0, 0, 1, 1], [], []>, transpose_lhs_hint = false} : vector<300x300xbf16>, vector<300x3584xbf16>, vector<300x3584xf32> -> vector<300x3584xf32>
    %get3A_6 = arith.constant 0 : index
    %get3A_7 = arith.constant 0 : index
    %get3A_8 = vector.load %arg3[%get3A_6, %get3A_7] : memref<300x1xf32, #tpu.memory_space<vmem>>, vector<300x1xf32>
    %mul3A = vector.broadcast %get3A_8 : vector<300x1xf32> to vector<300x3584xf32>
    %mul3A_9 = arith.mulf %dot_general3A_5, %mul3A : vector<300x3584xf32>
    %swap3A = arith.constant 0 : index
    %swap3A_10 = arith.constant 0 : index
    %swap3A_11 = vector.load %arg4[%swap3A, %swap3A_10] : memref<300x3584xf32, #tpu.memory_space<vmem>>, vector<300x3584xf32>
    tpu.vector_store %arg4[%swap3A, %swap3A_10], %mul3A_9 {strides = array<i32>} : memref<300x3584xf32, #tpu.memory_space<vmem>>, vector<300x3584xf32>,
    return
  }
  func.func @transform_0(%arg0: i32) -> (i32, i32) {
    %c0_i32 = arith.constant 0 : i32
    %c0_i32_0 = arith.constant 0 : i32
    return %c0_i32, %arg0 : i32, i32
  }
  func.func @transform_1(%arg0: i32) -> (i32, i32) {
    %c0_i32 = arith.constant 0 : i32
    %c0_i32_0 = arith.constant 0 : i32
    %c0_i32_1 = arith.constant 0 : i32
    return %c0_i32, %c0_i32_0 : i32, i32
  }
  func.func @transform_2(%arg0: i32) -> (i32, i32) {
    %c0_i32 = arith.constant 0 : i32
    %c0_i32_0 = arith.constant 0 : i32
    %c0_i32_1 = arith.constant 0 : i32
    return %c0_i32, %c0_i32_0 : i32, i32
  }
  func.func @transform_3(%arg0: i32) -> (i32, i32) {
    %c0_i32 = arith.constant 0 : i32
    %c0_i32_0 = arith.constant 0 : i32
    return %c0_i32, %arg0 : i32, i32
  }
}

</mosaic_0001>

<sc_bundles>
// kernel: sparse-core-data-format-call.cloned.1.call-start
scs
called_computation_lowered:
.L_overlay_start_0:
0x0: {  	s2 =	sld [smem:$0x3FD9]  }
0x1: {  	s3 =	sld [smem:$0x3FFE];
	_ =	sdelay $0x1  }
0x2: {  	s1 =	srdreg.scid  }
0x3: {  	s0 =	sand.u32 $0x1, s1  }
0x4: {  	s18 =	sshll.u32 s0, $0xA;
	s2 =	sadd.s32 s3, s2  }
0x5: {  	s2 =	sadd.s32 s2, s18  }
0x6: {  	[smem:$0x3FC6] =	sst s2  }
0x7: {  	_ = 	snop  }
0x8: {  	s2 =	sld [smem:$0x3FD0];
	(tm) =	ssettm $0x1  }
0x9: {  	s19 =	sld [smem:$0x3FFB];
	_ =	sdelay $0x3  }
0xa: {  	_ =	strace s19  }
0xb: {  	s3 =	sld [smem:$0x3FFC];
	_ =	sdelay $0x3  }
0xc: {  	_ =	strace s3  }
0xd: {  	s3 =	sld [smem:$0x3FFD];
	_ =	sdelay $0x3  }
0xe: {  	_ =	strace s3  }
0xf: {  	_ =	strace $0x8FFFFFFF  }
0x10: {  	s20 =	sld [smem:$0x3FDB];
	_ =	sdelay $0x1  }
0x11: {  	s4 =	simm.s32 $_scs_section_size  }
0x12: {  	s5 =	simm.s32 $_size__tile_overlayer_lowered;
	s6 =	simm.s32 $_tile_overlayer_lowered  }
0x13: {  	s23 =	simm.s32 $0x1BFF;
	s22 =	sshll.u32 s6, $0x1;
	s3 =	sadd.s32 s4, s20  }
0x14: {  	s7 =	simm.s32 $0x0;
	s21 =	sshll.u32 s5, $0x1;
	s5 =	sadd.s32 s22, s3  }
0x15: {  	[timem:s7], [sflag:s23] =	dma.local [hbm:s5], s21  }
0x16: {  	_ =	swait.ge [sflag:s23], s21  }
0x17: {  	s4 =	ssub.s32 $0x0, s21;
	[sflag:s23] =	ssyncset.done $0x0  }
0x18: {  	[sflag:s23] =	ssyncadd.s32 s4;
	_ =	sdelay $0x1  }
0x19: {  	s24 =	simm.s32 $0x1B8B  }
0x1a: {  	_ =	swait.ge [sflag:s24], $0x1  }
0x1b: {  	[sflag:s24] =	ssyncset.done $0x0  }
0x1c: {  	s26 =	simm.s32 $0x1B8E;
	s25 =	sld [smem:$0x3FFE];
	[sflag:s24] =	ssyncadd.s32 $0xFFFFFFFF  }
0x1d: {  	s27 =	simm.s32 $execute0_lowered;
	[smem:$0x3FD2] =	sst s26  }
0x1e: {  	s5 =	sshll.u32 s27, $0x1;
	_ =	strace $0x80000046;
	[dreg:$0x1] =	wrdreg $0xFFFFFFFF  }
0x1f: {  	s28 =	simm.s32 $_size_execute0_lowered;
	s3 =	sadd.s32 s3, s5;
	[dreg:$0x0] =	wrdreg $0x0  }
0x20: {  	s5 =	sshll.u32 s28, $0x1;
	[dreg:$0x2] =	wrdreg s3  }
0x21: {  	[dreg:$0x3] =	wrdreg s5  }
0x22: {  	[dreg:$0x4] =	wrdreg $0xC0  }
0x23: {  	_ =	task [dreg:s7], $0x5FFFF  }
0x24: {  	[dreg:$0x1] =	wrdreg $0xFFFFFFFF  }
0x25: {  	[dreg:$0x0] =	wrdreg $0x60  }
0x26: {  	[dreg:$0x2] =	wrdreg s25  }
0x27: {  	[dreg:$0x3] =	wrdreg s2  }
0x28: {  	[dreg:$0x4] =	wrdreg $0x9  }
0x29: {  	_ =	task.clear_ibuf [dreg:s7], $0x5FFFF;
	_ =	strace $0x90000046  }
0x2a: {  	s29 =	simm.s32 $0x9;
	_ =	strace $0x80000048  }
0x2b: {  	_ =	swait.ge [sflag:s29], $0x1  }
0x2c: {  	[sflag:s29] =	ssyncadd.s32 $0xFFFFFFFF  }
0x2d: {  	_ =	strace $0x90000048  }
0x2e: {  	_ =	sfence  }
0x2f: {  	s30 =	sld [smem:$0x0];
	_ =	sdelay $0x2  }
0x30: {  	s31 =	sshll.u32 s1, $0xD;
	s1 =	sshrl.u32 s1, $0x2  }
0x31: {  	s3 =	sand.u32 $0x4000, s31;
	s1 =	sadd.s32 s1, s30  }
0x32: {  	s0 =	sor.u32 s3, s0;
	s1 =	sshll.u32 s1, $0x11  }
0x33: {  	s0 =	sor.u32 s1, s0  }
0x34: {  	s0 =	sadd.s32 $0x8F2B, s0  }
0x35: {  	[sflag:s0] =	ssyncadd.remote.s32 $0x1  }
0x36: {  	_ =	sfence.sel $0xFFFF  }
0x37: {  	[dreg:$0x0] =	wrdreg $0xFFFFFFFF;
	(pc) =	sbr.abs _section_cstart, $3  }
0x38: {  	[dreg:$0x1] =	wrdreg $0xFFFFFFFF  }
0x39: {  	_ =	task.clear_ibuf [dreg:s7], $0x2FFFF;
	_ =	strace $0x9FFFFFFF  }
0x3a: {  	(tm) =	ssettm $0x7FFFFFFF  }
0x3b: {  	_ =	shalt  }
tec
execute0_lowered:
.L_overlay_start_1:
0x0: {  	(tag) =	ssettag $0x1  }
0x1: {  	s1 =	rddreg [dreg:$0x0]  }
0x2: {  	s2 =	rddreg [dreg:$0x1]  }
0x3: {  	s3 =	srdreg.scid;
	s0 =	rddreg [dreg:$0x2];
	_ =	strace $0x80000047  }
0x4: {  	s4 =	simm.s32 $0x1;
	s5 =	simm.s32 $0x2;
	s8 =	simm.s32 $0x0  }
0x5: {  	p0 =	por $0x0, $0x0;
	s13 =	simm.s32 $0x0;
	s3 =	sshll.u32 s3, $0x7  }
.Ltmp0:
0x6: {  	s14 =	simm.s32 $0x0;
	s3 =	sand.u32 $0x80, s3;
	(pc) =	sbr.rel .LBB1_1-.Ltmp0, $4  }
0x7: {  	s9 =	simm.s32 $0x0;
	s6 =	sadd.s32 s3, s1;
	s1 =	stileid.u32  }
0x8: {  	s10 =	simm.s32 $0x0;
	[sflag:s4] =	ssyncpa.u1 $0x0;
	s7 =	ssub.s32 $0x13B, s1  }
0x9: {  	s11 =	stileid.u32;
	[sflag:s5] =	ssyncpa.u1 $0x0;
	s5 =	sshrl.u32 s7, $0x4  }
0xa: {  	s12 =	simm.s32 $0x0;
	s6 =	sadd.s32 $0x10A000, s6;
	s7 =	sadd.s32 $0x1, s5  }
.LBB1_4:
0xb: {  	v5 =	vld [tilespmem:s16+$0xFFFFFFD0];
	[tilespmem:s18+$0x2040 ss:$0x81] =	vst.msk $0xffff, v2  }
0xc: {  	v58 =	vld [tilespmem:s16+$0xFFFFFFE0];
	[tilespmem:s18+$0x2850 ss:$0x81] =	vst.msk $0xffff, v3  }
0xd: {  	s19 =	sshra.s32 s19, $0x2;
	v59 =	vld [tilespmem:s16+$0xFFFFFFF0];
	[tilespmem:s18+$0x3060 ss:$0x81] =	vst.msk $0xffff, v4;
	p1 =	sgt.s32 s10, $0x12B  }
0xe: {  	v60 =	vld [tilespmem:s16+$0x0];
	[tilespmem:s18+$0x0 ss:$0x81] =	vst.msk $0xffff, v0;
	s18 =	smov.u32 s10;
	s26 =	sshra.s32 s10, $0x1F;
	s17 =	sadd.s32 s19, s17  }
0xf: {  	v61 =	vld [tilespmem:s16+$0x10];
	s18 =	simm.s32 @!p1 $0x12B;
	s19 =	sand.u32 s26, s10;
	[tilespmem:s17+$0x3870 ss:$0x81] =	vst.msk $0xffff, v1  }
0x10: {  	v62 =	vld [tilespmem:s16+$0x20];
	p1 =	sgt.s32 s9, $0x60;
	s18 =	ssub.s32 s18, s19;
	s19 =	smov.u32 s9;
	[tilespmem:s17+$0x810 ss:$0x81] =	vst.msk $0xffff, v5  }
0x11: {  	v63 =	vld [tilespmem:s16+$0xFFFFFFC0];
	s27 =	sadd.s32 $0xFFFFFED5, s18;
	s19 =	simm.s32 @!p1 $0x60;
	[tilespmem:s17+$0x1020 ss:$0x81] =	vst.msk $0xffff, v58  }
0x12: {  	s16 =	ssub.s32 $0x12C, s18;
	p1 =	sgt.s32 s27, $0x0;
	s28 =	sshll.u32 s19, $0x7;
	[tilespmem:s17+$0x1830 ss:$0x81] =	vst.msk $0xffff, v59  }
0x13: {  	s29 =	smul.u32 $0xE00, s10;
	[tilespmem:s17+$0x2040 ss:$0x81] =	vst.msk $0xffff, v60;
	s16 =	simm.s32 @p1 $0x0;
	s18 =	ssub.s32 $0x7000, s28  }
0x14: {  	[tilespmem:s17+$0x2850 ss:$0x81] =	vst.msk $0xffff, v61;
	s16 =	smul.u32 s16, s18  }
0x15: {  	s30 =	sshll.u32 s9, $0x4;
	s19 =	sadd.s32 s2, s29;
	[tilespmem:s17+$0x3060 ss:$0x81] =	vst.msk $0xffff, v62  }
0x16: {  	[tilespmem:s17+$0x0 ss:$0x81] =	vst.msk $0xffff, v63;
	s31 =	sadd.s32 s30, s19;
	s16 =	sand.u32 $0x3FFFFF80, s16  }
0x17: {  	[hbm4b:s31+s8] =	stream.linear.scatter [tilespmem:s15], [sflag:$0x2], s16, $0x20;
	[tilespmem:$0x10100] =	vst v63  }
.LBB1_5:
0x18: {  	p1 =	slt.u32 s12, $0x2  }
0x19: {  	p2 =	sgt.s32 @!p1 s14, $0x12B  }
0x1a: {  	s15 =	smov.u32 s14;
	s16 =	sshra.s32 @!p1 s14, $0x1F;
	p2 =	por !p2, p1  }
0x1b: {  	s14 =	sand.u32 @!p1 s16, s14;
	s15 =	simm.s32 @p2 $0x12B  }
0x1c: {  	p2 =	sgt.s32 @!p1 s13, $0x60;
	s14 =	ssub.s32 @!p1 s15, s14  }
0x1d: {  	p2 =	por !p2, p1;
	s15 =	sadd.s32 @!p1 $0xFFFFFED5, s14  }
0x1e: {  	s16 =	sadd.s32 $0x10, s11;
	s13 =	simm.s32 @p2 $0x60;
	p2 =	sgt.s32 @!p1 s15, $0x0  }
0x1f: {  	s14 =	ssub.s32 @!p1 $0x12C, s14;
	s13 =	sshll.u32 @!p1 s13, $0x7;
	p2 =	por !p2, p1  }
0x20: {  	s13 =	ssub.s32 @!p1 $0x7000, s13;
	s14 =	simm.s32 @!p2 $0x0;
	p2 =	sgt.s32 s16, $0x12B  }
0x21: {  	s13 =	smul.u32 @!p1 s14, s13;
	s16 =	smov.u32 @p2 s1;
	p2 =	sne.s32 s12, s7  }
.Ltmp1:
0x22: {  	s18 =	sadd.s32 $0x1, s12;
	p0 =	por !p0, !p0;
	(pc) =	sbr.rel @!p2 .LBB1_6-.Ltmp1, $4  }
0x23: {  	s15 =	simm.s32 @!p1 $0x2;
	s14 =	smov.u32 s10;
	s13 =	sand.u32 @!p1 $0x3FFFFF80, s13  }
0x24: {  	s10 =	smov.u32 s11;
	s12 =	smov.u32 s18;
	_ =	swait.ge @!p1 [sflag:s15], s13  }
0x25: {  	s11 =	smov.u32 s16;
	s17 =	ssub.s32 @!p1 $0x0, s13;
	[sflag:s15] =	ssyncset.done @!p1 $0x0  }
0x26: {  	s13 =	smov.u32 s9;
	s9 =	smov.u32 s3;
	[sflag:s15] =	ssyncadd.s32 @!p1 s17  }
.LBB1_1:
0x27: {  	p1 =	sge.u32 s12, s5  }
0x28: {  	s31 =	sadd.s32 $0xFFFFFFFF, s12;
	s15 =	sxor.u32 @!p1 $0xFFFFFFFF, s12  }
0x29: {  	s16 =	sshll.u32 @!p1 s11, $0xC;
	s17 =	simm.s32 @!p1 $0x400;
	s15 =	sshll.u32 @!p1 s15, $0xE  }
0x2a: {  	s18 =	simm.s32 @!p1 $0x800;
	s16 =	sadd.s32 @!p1 s16, s6;
	s15 =	sand.u32 @!p1 $0x4000, s15  }
0x2b: {  	[tilespmem:s15], [sflag:$0x1] =	stream.strided.gather @!p1 [hbm4b:s16+s17], $0x4000, s18, s17, $0x38;
	[tilespmem:$0x10100] =	vst v63  }
0x2c: {  	p1 =	sge.u32 s31, s5  }
.Ltmp2:
0x2d: {  	_ = 	snop;
	(pc) =	sbr.rel @p1 .LBB1_5-.Ltmp2, $1  }
0x2e: {  	_ =	sdelay $0x3  }
0x2f: {  	s15 =	simm.s32 $0x1  }
0x30: {  	_ =	swait.ge [sflag:s4], $0x4000;
	s15 =	simm.s32 @!p0 $0x0  }
0x31: {  	[sflag:s4] =	ssyncset.done $0x0;
	s16 =	sshll.u32 s15, $0xE  }
0x32: {  	[sflag:s4] =	ssyncadd.s32 $0xFFFFC000;
	s16 =	sor.u32 $0x40, s16  }
0x33: {  	s15 =	smul.u32 $0x10200, s15;
	v0 =	vld [tilespmem:s16+$0x30]  }
0x34: {  	v1 =	vld [tilespmem:s16+$0xFFFFFFD0]  }
0x35: {  	s15 =	sshrl.u32 s15, $0x2;
	v5 =	vld [tilespmem:s16+$0xFFFFFFE0]  }
0x36: {  	v6 =	vld [tilespmem:s16+$0xFFFFFFF0];
	s17 =	sor.u32 $0x8000, s15  }
0x37: {  	s31 =	sand.u32 $0x1, s12;
	v2 =	vld [tilespmem:s16+$0x0];
	s18 =	sadd.s32 $0x0, s17  }
0x38: {  	v3 =	vld [tilespmem:s16+$0x10];
	s15 =	smul.u32 $0x10200, s31;
	[tilespmem:s18+$0x3870 ss:$0x81] =	vst.msk $0xffff, v0  }
0x39: {  	v4 =	vld [tilespmem:s16+$0x20];
	[tilespmem:s18+$0x810 ss:$0x81] =	vst.msk $0xffff, v1  }
0x3a: {  	s15 =	sshrl.u32 s15, $0x2;
	v0 =	vld [tilespmem:s16+$0xFFFFFFC0];
	[tilespmem:s18+$0x1020 ss:$0x81] =	vst.msk $0xffff, v5;
	s16 =	sadd.s32 $0x80, s16  }
0x3b: {  	s19 =	simm.s32 $0x4;
	s20 =	simm.s32 $0x8;
	s15 =	sor.u32 $0x8000, s15;
	[tilespmem:s18+$0x1830 ss:$0x81] =	vst.msk $0xffff, v6;
	v1 =	vld [tilespmem:s16+$0x30]  }
.LBB1_3:
0x3c: {  	p1 =	sne.s32 s20, $0x1FC;
	v5 =	vld [tilespmem:s16+$0xFFFFFFD0];
	[tilespmem:s18+$0x2040 ss:$0x81] =	vst.msk $0xffff, v2  }
0x3d: {  	v6 =	vld [tilespmem:s16+$0xFFFFFFE0];
	[tilespmem:s18+$0x2850 ss:$0x81] =	vst.msk $0xffff, v3  }
0x3e: {  	s21 =	sshra.s32 s19, $0x2;
	s19 =	smov.u32 s20;
	v7 =	vld [tilespmem:s16+$0xFFFFFFF0];
	[tilespmem:s18+$0x3060 ss:$0x81] =	vst.msk $0xffff, v4  }
.Ltmp3:
0x3f: {  	v2 =	vld [tilespmem:s16+$0x0];
	[tilespmem:s18+$0x0 ss:$0x81] =	vst.msk $0xffff, v0;
	s18 =	sadd.s32 s21, s17;
	(pc) =	sbr.rel @p1 .LBB1_3-.Ltmp3, $4  }
0x40: {  	v3 =	vld [tilespmem:s16+$0x10];
	[tilespmem:s18+$0x3870 ss:$0x81] =	vst.msk $0xffff, v1  }
0x41: {  	[tilespmem:s18+$0x810 ss:$0x81] =	vst.msk $0xffff, v5;
	v4 =	vld [tilespmem:s16+$0x20]  }
0x42: {  	v0 =	vld [tilespmem:s16+$0xFFFFFFC0];
	[tilespmem:s18+$0x1020 ss:$0x81] =	vst.msk $0xffff, v6;
	s16 =	sadd.s32 $0x80, s16  }
0x43: {  	s20 =	sadd.s32 $0x4, s20;
	v1 =	vld [tilespmem:s16+$0x30];
	[tilespmem:s18+$0x1830 ss:$0x81] =	vst.msk $0xffff, v7  }
.Ltmp4:
0x44: {  	_ = 	snop;
	(pc) =	sbr.rel .LBB1_4-.Ltmp4, $1  }
0x45: {  	_ =	sdelay $0x3  }
.LBB1_6:
0x46: {  	_ =	sfence.sel $0x180000  }
0x47: {  	s2 =	simm.s32 $0x1;
	[bflag:$0x0] =	sbarrier.arrive $0xFFFF  }
0x48: {  	s31 =	simm.s32 $0x2;
	[sflag:s2] =	ssyncpa.u1 $0x1  }
0x49: {  	[sflag:s31] =	ssyncpa.u1 $0x1  }
0x4a: {  	p0 =	sne.s32 s1, $0x0;
	_ =	strace $0x90000047  }
0x4b: {  	s0 =	sadd.s32 @!p0 $0x100000, s0;
	[bflag:$0x2] =	sbarrier.arrive $0xFFFF  }
0x4c: {  	[sflag:s0] =	ssyncadd.tile.s32 @!p0 $0x1;
	_ =	shalt  }
.Lfunc_end1:
_tile_overlayer_lowered:
.L_overlay_start_2:
0x4d: {  	(tag) =	ssettag $0x2  }
0x4e: {  	s0 =	rddreg [dreg:$0x0];
	s2 =	stileid.u32  }
0x4f: {  	s1 =	rddreg [dreg:$0x1];
	p0 =	sne.s32 s2, $0x0  }
0x50: {  	s3 =	rddreg [dreg:$0x2];
	[bflag:$0x3] =	sbarrier.arrive $0xFFFF;
	s2 =	simm.s32 @!p0 $0x1C01  }
0x51: {  	[timem:s3], [sflag:s2] =	dma.local @!p0 [hbm:s0], s1  }
0x52: {  	s0 =	simm.s32 @!p0 $0x1  }
0x53: {  	_ =	swait.ge @!p0 [sflag:s0], s1  }
0x54: {  	s1 =	ssub.s32 @!p0 $0x0, s1;
	[sflag:s0] =	ssyncset.done @!p0 $0x0  }
0x55: {  	[sflag:s0] =	ssyncadd.s32 @!p0 s1  }
0x56: {  	[bflag:$0x3] =	sbarrier.arrive $0xFFFF  }
0x57: {  	_ =	shalt  }

</sc_bundles>
